<compile_context>
chip_gen: v7x
topology: tpu7x:2x2x1
jax: 0.10.2.dev20260603
libtpu: 0.0.44.dev20260713+nightly
codegen_flags: <defaults>
</compile_context>

<pallas_src>
import functools

import jax
import jax.numpy as jnp
from jax import lax
from jax.experimental import pallas as pl
from jax.experimental.pallas import tpu as pltpu
from jax.experimental.pallas import tpu_sc as plsc

NUM_MODELS = 4
VOCAB = 100000
RANK = 8
DIM = 32
BATCH = 1024
POS = 20
SEQ = BATCH * POS
NTOT = NUM_MODELS * SEQ

NC, NS, LANES = 2, 16, 16
NW = NC * NS
B_PER_W = NTOT // NW


V1, V2 = 800, 125
V1_BLK = 40


def _tc_detranspose(At):
    At4 = At.reshape(NUM_MODELS, RANK, V1, V2)

    def body(a_ref, o_ref):
        o_ref[0] = jnp.transpose(a_ref[0], (1, 2, 0))

    t4 = pl.pallas_call(
        body,
        grid=(NUM_MODELS, V1 // V1_BLK),
        in_specs=[pl.BlockSpec((1, RANK, V1_BLK, V2),
                               lambda m, c: (m, 0, c, 0))],
        out_specs=pl.BlockSpec((1, V1_BLK, V2, RANK),
                               lambda m, c: (m, c, 0, 0)),
        out_shape=jax.ShapeDtypeStruct((NUM_MODELS, V1, V2, RANK),
                                       jnp.float32),
    )(At4)
    return t4.reshape(NUM_MODELS, VOCAB, RANK)


CHUNK = 512
N_CHUNKS = B_PER_W // CHUNK
TW = NUM_MODELS * RANK


def _sc_gather(iflat, table32):
    mesh = plsc.VectorSubcoreMesh(core_axis_name="c", subcore_axis_name="s")

    @functools.partial(
        pl.kernel,
        mesh=mesh,
        compiler_params=pltpu.CompilerParams(use_tc_tiling_on_sc=False),
        out_type=jax.ShapeDtypeStruct((POS, NUM_MODELS, BATCH, TW),
                                      jnp.float32),
        scratch_types=[
            pltpu.VMEM((B_PER_W,), jnp.int32),
            pltpu.VMEM((B_PER_W, TW), jnp.float32),
            pltpu.SemaphoreType.DMA,
        ],
    )
    def gather_kernel(idx_hbm, tab_hbm, o_hbm, idx_v, rows_v, sem):
        wid = lax.axis_index("s") * NC + lax.axis_index("c")
        base = wid * B_PER_W
        pltpu.sync_copy(idx_hbm.at[pl.ds(base, B_PER_W)], idx_v)
        pltpu.async_copy(tab_hbm.at[idx_v], rows_v, sem).wait()

        for j in range(N_CHUNKS):
            p = base + j * CHUNK
            t = p // (NUM_MODELS * BATCH)
            m = (p // BATCH) % NUM_MODELS
            b0 = p % BATCH
            pltpu.sync_copy(rows_v.at[pl.ds(j * CHUNK, CHUNK)],
                            o_hbm.at[t, m, pl.ds(b0, CHUNK)])

    return gather_kernel(iflat, table32)


def _tc_matmul(g, Bblk):

    TB = 2

    def body(b_ref, g_ref, o_ref):
        for j in range(TB):
            o_ref[:, j] = lax.dot_general(
                b_ref[...], g_ref[j], (((1,), (2,)), ((0,), (0,))),
                preferred_element_type=jnp.float32)

    return pl.pallas_call(
        body,
        grid=(POS // TB,),
        in_specs=[
            pl.BlockSpec((NUM_MODELS, TW, DIM), lambda t: (0, 0, 0)),
            pl.BlockSpec((TB, NUM_MODELS, BATCH, TW), lambda t: (t, 0, 0, 0)),
        ],
        out_specs=pl.BlockSpec((NUM_MODELS, TB, DIM, BATCH),
                               lambda t: (0, t, 0, 0)),
        out_shape=jax.ShapeDtypeStruct((NUM_MODELS, POS, DIM, BATCH),
                                       jnp.float32),
    )(Bblk, g)


def kernel(idx, A, B):
    m, b, t = idx.shape
    iflat = jnp.transpose(idx.astype(jnp.int32), (2, 0, 1)).reshape(-1)
    table32 = jnp.transpose(A, (1, 0, 2)).reshape(VOCAB, TW)
    mask = ((jnp.arange(TW) // RANK)[None, :, None]
            == jnp.arange(NUM_MODELS)[:, None, None])
    Bblk = jnp.where(mask, jnp.tile(B, (1, NUM_MODELS, 1)), 0.0)
    g = _sc_gather(iflat, table32)
    out_t = _tc_matmul(g, Bblk)
    return jnp.transpose(out_t, (0, 3, 1, 2))

# --- scband reference (transcript-rebuilt; emitter-appended) ---
"""Pipeline reference for scband-low-rank-embedding-48249662603763 (READ-ONLY COPY).

The authoritative reference and input builder live on the scoring server;
editing this copy changes nothing except your own understanding.
"""

import jax, jax.numpy as jnp
import numpy as np

NUM_MODELS = 4
NUM_EMBEDDINGS = 100000
EMBEDDING_DIM = 32
RANK = 8


def setup_inputs(seed: int = 0) -> dict:
    key = jax.random.key(seed)
    k_idx, k_a, k_b = jax.random.split(key, 3)
    idx = jax.random.randint(k_idx, (NUM_MODELS, 1024, 20), 0, NUM_EMBEDDINGS, dtype=jnp.int64 if jax.config.read('jax_enable_x64') else jnp.int32)
    A = jax.random.normal(k_a, (NUM_MODELS, NUM_EMBEDDINGS, RANK), dtype=jnp.float32) * 0.02
    B = jax.random.normal(k_b, (NUM_MODELS, RANK, EMBEDDING_DIM), dtype=jnp.float32) * 0.02
    return {"idx": idx, "A": A, "B": B}


def reference(idx, A, B):
    # a_rows[m, b, t, r] = A[m, idx[m, b, t], r]  (per-model gather)
    m = A.shape[0]
    midx = jnp.arange(m).reshape(m, 1, 1)
    a_rows = A[midx, idx]  # [m, b, t, r]
    out = jnp.einsum('mbtr,mrd->mbtd', a_rows, B)
    return out

if __name__ == "__main__":
    import jax
    _d = setup_inputs()
    print(jax.jit(kernel)(*tuple(_d.values())))

</pallas_src>

<mosaic_0001>
#map = affine_map<(d0, d1) -> (0)>
#map1 = affine_map<(d0, d1) -> (0, 0)>
#map2 = affine_map<(d0, d1) -> (0, 0, 0, 0)>
module attributes {stable_mosaic.version = 14 : i64} {
  func.func @gather_kernel(%arg0: i32, %arg1: i32, %arg2: memref<81920xi32, #tpu.memory_space<hbm>>, %arg3: memref<100000x32xf32, #tpu.memory_space<hbm>>, %arg4: memref<20x4x1024x32xf32, #tpu.memory_space<hbm>>, %arg5: memref<2560xi32, #tpu.memory_space<vmem>>, %arg6: memref<2560x32xf32, #tpu.memory_space<vmem>>, %arg7: memref<!tpu.dma_semaphore, #tpu.memory_space<semaphore_mem>>) attributes {dimension_semantics = [#tpu.dimension_semantics<core_parallel>, #tpu.dimension_semantics<subcore_parallel>], iteration_bounds = array<i64: 2, 16>, scalar_prefetch = 0 : i64, scratch_operands = 3 : i64, tpu.core_type = #tpu.core_type<sc_vector_subcore>, window_params = [{transform_indices = #map}, {transform_indices = #map1}, {transform_indices = #map2}]} {
    %mul3A = arith.constant 2 : i32
    %mul3A_0 = arith.muli %arg1, %mul3A : i32
    %add3A = arith.addi %mul3A_0, %arg0 : i32
    %mul3A_1 = arith.constant 2560 : i32
    %mul3A_2 = arith.muli %add3A, %mul3A_1 : i32
    "tpu.region"() ({
      %run_scoped3A = tpu.sem_alloc : memref<!tpu.dma_semaphore, #tpu.memory_space<semaphore_mem>>
      %dma_start3A_407 = tpu.memref_slice %arg2[%mul3A_2] : memref<81920xi32, #tpu.memory_space<hbm>> -> memref<2560xi32, #tpu.memory_space<hbm>>
      %dma_start3A_408 = tpu.memref_slice %arg2[%mul3A_2] : memref<81920xi32, #tpu.memory_space<hbm>> -> memref<2560xi32, #tpu.memory_space<hbm>>
      tpu.enqueue_dma source(%dma_start3A_408 : memref<2560xi32, #tpu.memory_space<hbm>>) target(%arg5 : memref<2560xi32, #tpu.memory_space<vmem>>) target_semaphore(%run_scoped3A : memref<!tpu.dma_semaphore, #tpu.memory_space<semaphore_mem>>)
      %dma_wait3A_409 = tpu.memref_slice %arg2[%mul3A_2] : memref<81920xi32, #tpu.memory_space<hbm>> -> memref<2560xi32, #tpu.memory_space<hbm>>
      %dma_wait3A_410 = tpu.memref_slice %arg2[%mul3A_2] : memref<81920xi32, #tpu.memory_space<hbm>> -> memref<2560xi32, #tpu.memory_space<hbm>>
      tpu.wait_dma2 semaphore(%run_scoped3A : memref<!tpu.dma_semaphore, #tpu.memory_space<semaphore_mem>>) src(%dma_wait3A_410 : memref<2560xi32, #tpu.memory_space<hbm>>) dst(%arg5 : memref<2560xi32, #tpu.memory_space<vmem>>)
      tpu.yield
    }) : () -> ()
    %dma_start3A = arith.constant 0 : i32
    %dma_start3A_3 = arith.constant 0 : i32
    %dma_start3A_4 = tpu.memref_slice %arg3[%dma_start3A, %dma_start3A_3] : memref<100000x32xf32, #tpu.memory_space<hbm>> -> memref<100000x32xf32, #tpu.memory_space<hbm>>
    tpu.enqueue_indirect_dma source(%dma_start3A_4 : memref<100000x32xf32, #tpu.memory_space<hbm>>) target(%arg6 : memref<2560x32xf32, #tpu.memory_space<vmem>>) offsets(%arg5 : memref<2560xi32, #tpu.memory_space<vmem>>) semaphore(%arg7 : memref<!tpu.dma_semaphore, #tpu.memory_space<semaphore_mem>>)
    %dma_wait3A = arith.constant 0 : i32
    %dma_wait3A_5 = arith.constant 0 : i32
    %dma_wait3A_6 = tpu.memref_slice %arg3[%dma_wait3A, %dma_wait3A_5] : memref<100000x32xf32, #tpu.memory_space<hbm>> -> memref<100000x32xf32, #tpu.memory_space<hbm>>
    tpu.wait_indirect_dma semaphore(%arg7 : memref<!tpu.dma_semaphore, #tpu.memory_space<semaphore_mem>>) src(%dma_wait3A_6 : memref<100000x32xf32, #tpu.memory_space<hbm>>) dst(%arg6 : memref<2560x32xf32, #tpu.memory_space<vmem>>)
    %add3A_7 = arith.constant 0 : i32
    %add3A_8 = arith.addi %mul3A_2, %add3A_7 : i32
    %jit3A = arith.constant 4096 : i32
    %div3A = arith.divsi %add3A_8, %jit3A : i32
    %sign3A = arith.constant 0 : i32
    %sign3A_9 = arith.cmpi sgt, %add3A_8, %sign3A : i32
    %sign3A_10 = arith.extui %sign3A_9 : i1 to i32
    %sign3A_11 = arith.constant 0 : i32
    %sign3A_12 = arith.cmpi slt, %add3A_8, %sign3A_11 : i32
    %sign3A_13 = arith.extui %sign3A_12 : i1 to i32
    %sign3A_14 = arith.subi %sign3A_10, %sign3A_13 : i32
    %sign3A_15 = arith.constant 0 : i32
    %sign3A_16 = arith.cmpi sgt, %jit3A, %sign3A_15 : i32
    %sign3A_17 = arith.extui %sign3A_16 : i1 to i32
    %sign3A_18 = arith.constant 0 : i32
    %sign3A_19 = arith.cmpi slt, %jit3A, %sign3A_18 : i32
    %sign3A_20 = arith.extui %sign3A_19 : i1 to i32
    %sign3A_21 = arith.subi %sign3A_17, %sign3A_20 : i32
    %ne3A = arith.cmpi ne, %sign3A_14, %sign3A_21 : i32
    %rem3A = arith.remsi %add3A_8, %jit3A : i32
    %ne3A_22 = arith.constant 0 : i32
    %ne3A_23 = arith.cmpi ne, %rem3A, %ne3A_22 : i32
    %and3A = arith.andi %ne3A, %ne3A_23 : i1
    %sub3A = arith.constant 1 : i32
    %sub3A_24 = arith.subi %div3A, %sub3A : i32
    %select_n3A = arith.select %and3A, %sub3A_24, %div3A : i32
    %jit3A_25 = arith.constant 1024 : i32
    %div3A_26 = arith.divsi %add3A_8, %jit3A_25 : i32
    %sign3A_27 = arith.constant 0 : i32
    %sign3A_28 = arith.cmpi sgt, %add3A_8, %sign3A_27 : i32
    %sign3A_29 = arith.extui %sign3A_28 : i1 to i32
    %sign3A_30 = arith.constant 0 : i32
    %sign3A_31 = arith.cmpi slt, %add3A_8, %sign3A_30 : i32
    %sign3A_32 = arith.extui %sign3A_31 : i1 to i32
    %sign3A_33 = arith.subi %sign3A_29, %sign3A_32 : i32
    %sign3A_34 = arith.constant 0 : i32
    %sign3A_35 = arith.cmpi sgt, %jit3A_25, %sign3A_34 : i32
    %sign3A_36 = arith.extui %sign3A_35 : i1 to i32
    %sign3A_37 = arith.constant 0 : i32
    %sign3A_38 = arith.cmpi slt, %jit3A_25, %sign3A_37 : i32
    %sign3A_39 = arith.extui %sign3A_38 : i1 to i32
    %sign3A_40 = arith.subi %sign3A_36, %sign3A_39 : i32
    %ne3A_41 = arith.cmpi ne, %sign3A_33, %sign3A_40 : i32
    %rem3A_42 = arith.remsi %add3A_8, %jit3A_25 : i32
    %ne3A_43 = arith.constant 0 : i32
    %ne3A_44 = arith.cmpi ne, %rem3A_42, %ne3A_43 : i32
    %and3A_45 = arith.andi %ne3A_41, %ne3A_44 : i1
    %sub3A_46 = arith.constant 1 : i32
    %sub3A_47 = arith.subi %div3A_26, %sub3A_46 : i32
    %select_n3A_48 = arith.select %and3A_45, %sub3A_47, %div3A_26 : i32
    %jit3A_49 = arith.constant 4 : i32
    %eq3A = arith.constant 0 : i32
    %eq3A_50 = arith.cmpi eq, %jit3A_49, %eq3A : i32
    %jit3A_51 = arith.constant 1 : i32
    %select_n3A_52 = arith.select %eq3A_50, %jit3A_51, %jit3A_49 : i32
    %rem3A_53 = arith.remsi %select_n3A_48, %select_n3A_52 : i32
    %ne3A_54 = arith.constant 0 : i32
    %ne3A_55 = arith.cmpi ne, %rem3A_53, %ne3A_54 : i32
    %lt3A = arith.constant 0 : i32
    %lt3A_56 = arith.cmpi slt, %rem3A_53, %lt3A : i32
    %lt3A_57 = arith.constant 0 : i32
    %lt3A_58 = arith.cmpi slt, %select_n3A_52, %lt3A_57 : i32
    %ne3A_59 = arith.xori %lt3A_56, %lt3A_58 : i1
    %and3A_60 = arith.andi %ne3A_59, %ne3A_55 : i1
    %add3A_61 = arith.addi %rem3A_53, %select_n3A_52 : i32
    %select_n3A_62 = arith.select %and3A_60, %add3A_61, %rem3A_53 : i32
    %jit3A_63 = arith.constant 1024 : i32
    %eq3A_64 = arith.constant 0 : i32
    %eq3A_65 = arith.cmpi eq, %jit3A_63, %eq3A_64 : i32
    %jit3A_66 = arith.constant 1 : i32
    %select_n3A_67 = arith.select %eq3A_65, %jit3A_66, %jit3A_63 : i32
    %rem3A_68 = arith.remsi %add3A_8, %select_n3A_67 : i32
    %ne3A_69 = arith.constant 0 : i32
    %ne3A_70 = arith.cmpi ne, %rem3A_68, %ne3A_69 : i32
    %lt3A_71 = arith.constant 0 : i32
    %lt3A_72 = arith.cmpi slt, %rem3A_68, %lt3A_71 : i32
    %lt3A_73 = arith.constant 0 : i32
    %lt3A_74 = arith.cmpi slt, %select_n3A_67, %lt3A_73 : i32
    %ne3A_75 = arith.xori %lt3A_72, %lt3A_74 : i1
    %and3A_76 = arith.andi %ne3A_75, %ne3A_70 : i1
    %add3A_77 = arith.addi %rem3A_68, %select_n3A_67 : i32
    %select_n3A_78 = arith.select %and3A_76, %add3A_77, %rem3A_68 : i32
    "tpu.region"() ({
      %run_scoped3A = tpu.sem_alloc : memref<!tpu.dma_semaphore, #tpu.memory_space<semaphore_mem>>
      %dma_start3A_407 = arith.constant 0 : i32
      %dma_start3A_408 = arith.constant 0 : i32
      %dma_start3A_409 = tpu.memref_slice %arg6[%dma_start3A_407, %dma_start3A_408] : memref<2560x32xf32, #tpu.memory_space<vmem>> -> memref<512x32xf32, #tpu.memory_space<vmem>>
      %dma_start3A_410 = arith.constant 0 : i32
      %dma_start3A_411 = tpu.memref_slice %arg4[%select_n3A, %select_n3A_62, %select_n3A_78, %dma_start3A_410] : memref<20x4x1024x32xf32, #tpu.memory_space<hbm>> -> memref<1x1x512x32xf32, #tpu.memory_space<hbm>>
      %dma_start3A_412 = tpu.memref_squeeze %dma_start3A_411 : memref<1x1x512x32xf32, #tpu.memory_space<hbm>> -> memref<512x32xf32, #tpu.memory_space<hbm>>
      %dma_start3A_413 = arith.constant 0 : i32
      %dma_start3A_414 = tpu.memref_slice %arg4[%select_n3A, %select_n3A_62, %select_n3A_78, %dma_start3A_413] : memref<20x4x1024x32xf32, #tpu.memory_space<hbm>> -> memref<1x1x512x32xf32, #tpu.memory_space<hbm>>
      %dma_start3A_415 = tpu.memref_squeeze %dma_start3A_414 : memref<1x1x512x32xf32, #tpu.memory_space<hbm>> -> memref<512x32xf32, #tpu.memory_space<hbm>>
      %dma_start3A_416 = arith.constant 0 : i32
      %dma_start3A_417 = arith.constant 0 : i32
      %dma_start3A_418 = tpu.memref_slice %arg6[%dma_start3A_416, %dma_start3A_417] : memref<2560x32xf32, #tpu.memory_space<vmem>> -> memref<512x32xf32, #tpu.memory_space<vmem>>
      tpu.enqueue_dma source(%dma_start3A_418 : memref<512x32xf32, #tpu.memory_space<vmem>>) target(%dma_start3A_415 : memref<512x32xf32, #tpu.memory_space<hbm>>) target_semaphore(%run_scoped3A : memref<!tpu.dma_semaphore, #tpu.memory_space<semaphore_mem>>)
      %dma_wait3A_419 = arith.constant 0 : i32
      %dma_wait3A_420 = arith.constant 0 : i32
      %dma_wait3A_421 = tpu.memref_slice %arg6[%dma_wait3A_419, %dma_wait3A_420] : memref<2560x32xf32, #tpu.memory_space<vmem>> -> memref<512x32xf32, #tpu.memory_space<vmem>>
      %dma_wait3A_422 = arith.constant 0 : i32
      %dma_wait3A_423 = tpu.memref_slice %arg4[%select_n3A, %select_n3A_62, %select_n3A_78, %dma_wait3A_422] : memref<20x4x1024x32xf32, #tpu.memory_space<hbm>> -> memref<1x1x512x32xf32, #tpu.memory_space<hbm>>
      %dma_wait3A_424 = tpu.memref_squeeze %dma_wait3A_423 : memref<1x1x512x32xf32, #tpu.memory_space<hbm>> -> memref<512x32xf32, #tpu.memory_space<hbm>>
      %dma_wait3A_425 = arith.constant 0 : i32
      %dma_wait3A_426 = tpu.memref_slice %arg4[%select_n3A, %select_n3A_62, %select_n3A_78, %dma_wait3A_425] : memref<20x4x1024x32xf32, #tpu.memory_space<hbm>> -> memref<1x1x512x32xf32, #tpu.memory_space<hbm>>
      %dma_wait3A_427 = tpu.memref_squeeze %dma_wait3A_426 : memref<1x1x512x32xf32, #tpu.memory_space<hbm>> -> memref<512x32xf32, #tpu.memory_space<hbm>>
      %dma_wait3A_428 = arith.constant 0 : i32
      %dma_wait3A_429 = arith.constant 0 : i32
      %dma_wait3A_430 = tpu.memref_slice %arg6[%dma_wait3A_428, %dma_wait3A_429] : memref<2560x32xf32, #tpu.memory_space<vmem>> -> memref<512x32xf32, #tpu.memory_space<vmem>>
      tpu.wait_dma2 semaphore(%run_scoped3A : memref<!tpu.dma_semaphore, #tpu.memory_space<semaphore_mem>>) src(%dma_wait3A_430 : memref<512x32xf32, #tpu.memory_space<vmem>>) dst(%dma_wait3A_427 : memref<512x32xf32, #tpu.memory_space<hbm>>)
      tpu.yield
    }) : () -> ()
    %add3A_79 = arith.constant 512 : i32
    %add3A_80 = arith.addi %mul3A_2, %add3A_79 : i32
    %jit3A_81 = arith.constant 4096 : i32
    %div3A_82 = arith.divsi %add3A_80, %jit3A_81 : i32
    %sign3A_83 = arith.constant 0 : i32
    %sign3A_84 = arith.cmpi sgt, %add3A_80, %sign3A_83 : i32
    %sign3A_85 = arith.extui %sign3A_84 : i1 to i32
    %sign3A_86 = arith.constant 0 : i32
    %sign3A_87 = arith.cmpi slt, %add3A_80, %sign3A_86 : i32
    %sign3A_88 = arith.extui %sign3A_87 : i1 to i32
    %sign3A_89 = arith.subi %sign3A_85, %sign3A_88 : i32
    %sign3A_90 = arith.constant 0 : i32
    %sign3A_91 = arith.cmpi sgt, %jit3A_81, %sign3A_90 : i32
    %sign3A_92 = arith.extui %sign3A_91 : i1 to i32
    %sign3A_93 = arith.constant 0 : i32
    %sign3A_94 = arith.cmpi slt, %jit3A_81, %sign3A_93 : i32
    %sign3A_95 = arith.extui %sign3A_94 : i1 to i32
    %sign3A_96 = arith.subi %sign3A_92, %sign3A_95 : i32
    %ne3A_97 = arith.cmpi ne, %sign3A_89, %sign3A_96 : i32
    %rem3A_98 = arith.remsi %add3A_80, %jit3A_81 : i32
    %ne3A_99 = arith.constant 0 : i32
    %ne3A_100 = arith.cmpi ne, %rem3A_98, %ne3A_99 : i32
    %and3A_101 = arith.andi %ne3A_97, %ne3A_100 : i1
    %sub3A_102 = arith.constant 1 : i32
    %sub3A_103 = arith.subi %div3A_82, %sub3A_102 : i32
    %select_n3A_104 = arith.select %and3A_101, %sub3A_103, %div3A_82 : i32
    %jit3A_105 = arith.constant 1024 : i32
    %div3A_106 = arith.divsi %add3A_80, %jit3A_105 : i32
    %sign3A_107 = arith.constant 0 : i32
    %sign3A_108 = arith.cmpi sgt, %add3A_80, %sign3A_107 : i32
    %sign3A_109 = arith.extui %sign3A_108 : i1 to i32
    %sign3A_110 = arith.constant 0 : i32
    %sign3A_111 = arith.cmpi slt, %add3A_80, %sign3A_110 : i32
    %sign3A_112 = arith.extui %sign3A_111 : i1 to i32
    %sign3A_113 = arith.subi %sign3A_109, %sign3A_112 : i32
    %sign3A_114 = arith.constant 0 : i32
    %sign3A_115 = arith.cmpi sgt, %jit3A_105, %sign3A_114 : i32
    %sign3A_116 = arith.extui %sign3A_115 : i1 to i32
    %sign3A_117 = arith.constant 0 : i32
    %sign3A_118 = arith.cmpi slt, %jit3A_105, %sign3A_117 : i32
    %sign3A_119 = arith.extui %sign3A_118 : i1 to i32
    %sign3A_120 = arith.subi %sign3A_116, %sign3A_119 : i32
    %ne3A_121 = arith.cmpi ne, %sign3A_113, %sign3A_120 : i32
    %rem3A_122 = arith.remsi %add3A_80, %jit3A_105 : i32
    %ne3A_123 = arith.constant 0 : i32
    %ne3A_124 = arith.cmpi ne, %rem3A_122, %ne3A_123 : i32
    %and3A_125 = arith.andi %ne3A_121, %ne3A_124 : i1
    %sub3A_126 = arith.constant 1 : i32
    %sub3A_127 = arith.subi %div3A_106, %sub3A_126 : i32
    %select_n3A_128 = arith.select %and3A_125, %sub3A_127, %div3A_106 : i32
    %jit3A_129 = arith.constant 4 : i32
    %eq3A_130 = arith.constant 0 : i32
    %eq3A_131 = arith.cmpi eq, %jit3A_129, %eq3A_130 : i32
    %jit3A_132 = arith.constant 1 : i32
    %select_n3A_133 = arith.select %eq3A_131, %jit3A_132, %jit3A_129 : i32
    %rem3A_134 = arith.remsi %select_n3A_128, %select_n3A_133 : i32
    %ne3A_135 = arith.constant 0 : i32
    %ne3A_136 = arith.cmpi ne, %rem3A_134, %ne3A_135 : i32
    %lt3A_137 = arith.constant 0 : i32
    %lt3A_138 = arith.cmpi slt, %rem3A_134, %lt3A_137 : i32
    %lt3A_139 = arith.constant 0 : i32
    %lt3A_140 = arith.cmpi slt, %select_n3A_133, %lt3A_139 : i32
    %ne3A_141 = arith.xori %lt3A_138, %lt3A_140 : i1
    %and3A_142 = arith.andi %ne3A_141, %ne3A_136 : i1
    %add3A_143 = arith.addi %rem3A_134, %select_n3A_133 : i32
    %select_n3A_144 = arith.select %and3A_142, %add3A_143, %rem3A_134 : i32
    %jit3A_145 = arith.constant 1024 : i32
    %eq3A_146 = arith.constant 0 : i32
    %eq3A_147 = arith.cmpi eq, %jit3A_145, %eq3A_146 : i32
    %jit3A_148 = arith.constant 1 : i32
    %select_n3A_149 = arith.select %eq3A_147, %jit3A_148, %jit3A_145 : i32
    %rem3A_150 = arith.remsi %add3A_80, %select_n3A_149 : i32
    %ne3A_151 = arith.constant 0 : i32
    %ne3A_152 = arith.cmpi ne, %rem3A_150, %ne3A_151 : i32
    %lt3A_153 = arith.constant 0 : i32
    %lt3A_154 = arith.cmpi slt, %rem3A_150, %lt3A_153 : i32
    %lt3A_155 = arith.constant 0 : i32
    %lt3A_156 = arith.cmpi slt, %select_n3A_149, %lt3A_155 : i32
    %ne3A_157 = arith.xori %lt3A_154, %lt3A_156 : i1
    %and3A_158 = arith.andi %ne3A_157, %ne3A_152 : i1
    %add3A_159 = arith.addi %rem3A_150, %select_n3A_149 : i32
    %select_n3A_160 = arith.select %and3A_158, %add3A_159, %rem3A_150 : i32
    "tpu.region"() ({
      %run_scoped3A = tpu.sem_alloc : memref<!tpu.dma_semaphore, #tpu.memory_space<semaphore_mem>>
      %dma_start3A_407 = arith.constant 512 : i32
      %dma_start3A_408 = arith.constant 0 : i32
      %dma_start3A_409 = tpu.memref_slice %arg6[%dma_start3A_407, %dma_start3A_408] : memref<2560x32xf32, #tpu.memory_space<vmem>> -> memref<512x32xf32, #tpu.memory_space<vmem>>
      %dma_start3A_410 = arith.constant 0 : i32
      %dma_start3A_411 = tpu.memref_slice %arg4[%select_n3A_104, %select_n3A_144, %select_n3A_160, %dma_start3A_410] : memref<20x4x1024x32xf32, #tpu.memory_space<hbm>> -> memref<1x1x512x32xf32, #tpu.memory_space<hbm>>
      %dma_start3A_412 = tpu.memref_squeeze %dma_start3A_411 : memref<1x1x512x32xf32, #tpu.memory_space<hbm>> -> memref<512x32xf32, #tpu.memory_space<hbm>>
      %dma_start3A_413 = arith.constant 0 : i32
      %dma_start3A_414 = tpu.memref_slice %arg4[%select_n3A_104, %select_n3A_144, %select_n3A_160, %dma_start3A_413] : memref<20x4x1024x32xf32, #tpu.memory_space<hbm>> -> memref<1x1x512x32xf32, #tpu.memory_space<hbm>>
      %dma_start3A_415 = tpu.memref_squeeze %dma_start3A_414 : memref<1x1x512x32xf32, #tpu.memory_space<hbm>> -> memref<512x32xf32, #tpu.memory_space<hbm>>
      %dma_start3A_416 = arith.constant 512 : i32
      %dma_start3A_417 = arith.constant 0 : i32
      %dma_start3A_418 = tpu.memref_slice %arg6[%dma_start3A_416, %dma_start3A_417] : memref<2560x32xf32, #tpu.memory_space<vmem>> -> memref<512x32xf32, #tpu.memory_space<vmem>>
      tpu.enqueue_dma source(%dma_start3A_418 : memref<512x32xf32, #tpu.memory_space<vmem>>) target(%dma_start3A_415 : memref<512x32xf32, #tpu.memory_space<hbm>>) target_semaphore(%run_scoped3A : memref<!tpu.dma_semaphore, #tpu.memory_space<semaphore_mem>>)
      %dma_wait3A_419 = arith.constant 512 : i32
      %dma_wait3A_420 = arith.constant 0 : i32
      %dma_wait3A_421 = tpu.memref_slice %arg6[%dma_wait3A_419, %dma_wait3A_420] : memref<2560x32xf32, #tpu.memory_space<vmem>> -> memref<512x32xf32, #tpu.memory_space<vmem>>
      %dma_wait3A_422 = arith.constant 0 : i32
      %dma_wait3A_423 = tpu.memref_slice %arg4[%select_n3A_104, %select_n3A_144, %select_n3A_160, %dma_wait3A_422] : memref<20x4x1024x32xf32, #tpu.memory_space<hbm>> -> memref<1x1x512x32xf32, #tpu.memory_space<hbm>>
      %dma_wait3A_424 = tpu.memref_squeeze %dma_wait3A_423 : memref<1x1x512x32xf32, #tpu.memory_space<hbm>> -> memref<512x32xf32, #tpu.memory_space<hbm>>
      %dma_wait3A_425 = arith.constant 0 : i32
      %dma_wait3A_426 = tpu.memref_slice %arg4[%select_n3A_104, %select_n3A_144, %select_n3A_160, %dma_wait3A_425] : memref<20x4x1024x32xf32, #tpu.memory_space<hbm>> -> memref<1x1x512x32xf32, #tpu.memory_space<hbm>>
      %dma_wait3A_427 = tpu.memref_squeeze %dma_wait3A_426 : memref<1x1x512x32xf32, #tpu.memory_space<hbm>> -> memref<512x32xf32, #tpu.memory_space<hbm>>
      %dma_wait3A_428 = arith.constant 512 : i32
      %dma_wait3A_429 = arith.constant 0 : i32
      %dma_wait3A_430 = tpu.memref_slice %arg6[%dma_wait3A_428, %dma_wait3A_429] : memref<2560x32xf32, #tpu.memory_space<vmem>> -> memref<512x32xf32, #tpu.memory_space<vmem>>
      tpu.wait_dma2 semaphore(%run_scoped3A : memref<!tpu.dma_semaphore, #tpu.memory_space<semaphore_mem>>) src(%dma_wait3A_430 : memref<512x32xf32, #tpu.memory_space<vmem>>) dst(%dma_wait3A_427 : memref<512x32xf32, #tpu.memory_space<hbm>>)
      tpu.yield
    }) : () -> ()
    %add3A_161 = arith.constant 1024 : i32
    %add3A_162 = arith.addi %mul3A_2, %add3A_161 : i32
    %jit3A_163 = arith.constant 4096 : i32
    %div3A_164 = arith.divsi %add3A_162, %jit3A_163 : i32
    %sign3A_165 = arith.constant 0 : i32
    %sign3A_166 = arith.cmpi sgt, %add3A_162, %sign3A_165 : i32
    %sign3A_167 = arith.extui %sign3A_166 : i1 to i32
    %sign3A_168 = arith.constant 0 : i32
    %sign3A_169 = arith.cmpi slt, %add3A_162, %sign3A_168 : i32
    %sign3A_170 = arith.extui %sign3A_169 : i1 to i32
    %sign3A_171 = arith.subi %sign3A_167, %sign3A_170 : i32
    %sign3A_172 = arith.constant 0 : i32
    %sign3A_173 = arith.cmpi sgt, %jit3A_163, %sign3A_172 : i32
    %sign3A_174 = arith.extui %sign3A_173 : i1 to i32
    %sign3A_175 = arith.constant 0 : i32
    %sign3A_176 = arith.cmpi slt, %jit3A_163, %sign3A_175 : i32
    %sign3A_177 = arith.extui %sign3A_176 : i1 to i32
    %sign3A_178 = arith.subi %sign3A_174, %sign3A_177 : i32
    %ne3A_179 = arith.cmpi ne, %sign3A_171, %sign3A_178 : i32
    %rem3A_180 = arith.remsi %add3A_162, %jit3A_163 : i32
    %ne3A_181 = arith.constant 0 : i32
    %ne3A_182 = arith.cmpi ne, %rem3A_180, %ne3A_181 : i32
    %and3A_183 = arith.andi %ne3A_179, %ne3A_182 : i1
    %sub3A_184 = arith.constant 1 : i32
    %sub3A_185 = arith.subi %div3A_164, %sub3A_184 : i32
    %select_n3A_186 = arith.select %and3A_183, %sub3A_185, %div3A_164 : i32
    %jit3A_187 = arith.constant 1024 : i32
    %div3A_188 = arith.divsi %add3A_162, %jit3A_187 : i32
    %sign3A_189 = arith.constant 0 : i32
    %sign3A_190 = arith.cmpi sgt, %add3A_162, %sign3A_189 : i32
    %sign3A_191 = arith.extui %sign3A_190 : i1 to i32
    %sign3A_192 = arith.constant 0 : i32
    %sign3A_193 = arith.cmpi slt, %add3A_162, %sign3A_192 : i32
    %sign3A_194 = arith.extui %sign3A_193 : i1 to i32
    %sign3A_195 = arith.subi %sign3A_191, %sign3A_194 : i32
    %sign3A_196 = arith.constant 0 : i32
    %sign3A_197 = arith.cmpi sgt, %jit3A_187, %sign3A_196 : i32
    %sign3A_198 = arith.extui %sign3A_197 : i1 to i32
    %sign3A_199 = arith.constant 0 : i32
    %sign3A_200 = arith.cmpi slt, %jit3A_187, %sign3A_199 : i32
    %sign3A_201 = arith.extui %sign3A_200 : i1 to i32
    %sign3A_202 = arith.subi %sign3A_198, %sign3A_201 : i32
    %ne3A_203 = arith.cmpi ne, %sign3A_195, %sign3A_202 : i32
    %rem3A_204 = arith.remsi %add3A_162, %jit3A_187 : i32
    %ne3A_205 = arith.constant 0 : i32
    %ne3A_206 = arith.cmpi ne, %rem3A_204, %ne3A_205 : i32
    %and3A_207 = arith.andi %ne3A_203, %ne3A_206 : i1
    %sub3A_208 = arith.constant 1 : i32
    %sub3A_209 = arith.subi %div3A_188, %sub3A_208 : i32
    %select_n3A_210 = arith.select %and3A_207, %sub3A_209, %div3A_188 : i32
    %jit3A_211 = arith.constant 4 : i32
    %eq3A_212 = arith.constant 0 : i32
    %eq3A_213 = arith.cmpi eq, %jit3A_211, %eq3A_212 : i32
    %jit3A_214 = arith.constant 1 : i32
    %select_n3A_215 = arith.select %eq3A_213, %jit3A_214, %jit3A_211 : i32
    %rem3A_216 = arith.remsi %select_n3A_210, %select_n3A_215 : i32
    %ne3A_217 = arith.constant 0 : i32
    %ne3A_218 = arith.cmpi ne, %rem3A_216, %ne3A_217 : i32
    %lt3A_219 = arith.constant 0 : i32
    %lt3A_220 = arith.cmpi slt, %rem3A_216, %lt3A_219 : i32
    %lt3A_221 = arith.constant 0 : i32
    %lt3A_222 = arith.cmpi slt, %select_n3A_215, %lt3A_221 : i32
    %ne3A_223 = arith.xori %lt3A_220, %lt3A_222 : i1
    %and3A_224 = arith.andi %ne3A_223, %ne3A_218 : i1
    %add3A_225 = arith.addi %rem3A_216, %select_n3A_215 : i32
    %select_n3A_226 = arith.select %and3A_224, %add3A_225, %rem3A_216 : i32
    %jit3A_227 = arith.constant 1024 : i32
    %eq3A_228 = arith.constant 0 : i32
    %eq3A_229 = arith.cmpi eq, %jit3A_227, %eq3A_228 : i32
    %jit3A_230 = arith.constant 1 : i32
    %select_n3A_231 = arith.select %eq3A_229, %jit3A_230, %jit3A_227 : i32
    %rem3A_232 = arith.remsi %add3A_162, %select_n3A_231 : i32
    %ne3A_233 = arith.constant 0 : i32
    %ne3A_234 = arith.cmpi ne, %rem3A_232, %ne3A_233 : i32
    %lt3A_235 = arith.constant 0 : i32
    %lt3A_236 = arith.cmpi slt, %rem3A_232, %lt3A_235 : i32
    %lt3A_237 = arith.constant 0 : i32
    %lt3A_238 = arith.cmpi slt, %select_n3A_231, %lt3A_237 : i32
    %ne3A_239 = arith.xori %lt3A_236, %lt3A_238 : i1
    %and3A_240 = arith.andi %ne3A_239, %ne3A_234 : i1
    %add3A_241 = arith.addi %rem3A_232, %select_n3A_231 : i32
    %select_n3A_242 = arith.select %and3A_240, %add3A_241, %rem3A_232 : i32
    "tpu.region"() ({
      %run_scoped3A = tpu.sem_alloc : memref<!tpu.dma_semaphore, #tpu.memory_space<semaphore_mem>>
      %dma_start3A_407 = arith.constant 1024 : i32
      %dma_start3A_408 = arith.constant 0 : i32
      %dma_start3A_409 = tpu.memref_slice %arg6[%dma_start3A_407, %dma_start3A_408] : memref<2560x32xf32, #tpu.memory_space<vmem>> -> memref<512x32xf32, #tpu.memory_space<vmem>>
      %dma_start3A_410 = arith.constant 0 : i32
      %dma_start3A_411 = tpu.memref_slice %arg4[%select_n3A_186, %select_n3A_226, %select_n3A_242, %dma_start3A_410] : memref<20x4x1024x32xf32, #tpu.memory_space<hbm>> -> memref<1x1x512x32xf32, #tpu.memory_space<hbm>>
      %dma_start3A_412 = tpu.memref_squeeze %dma_start3A_411 : memref<1x1x512x32xf32, #tpu.memory_space<hbm>> -> memref<512x32xf32, #tpu.memory_space<hbm>>
      %dma_start3A_413 = arith.constant 0 : i32
      %dma_start3A_414 = tpu.memref_slice %arg4[%select_n3A_186, %select_n3A_226, %select_n3A_242, %dma_start3A_413] : memref<20x4x1024x32xf32, #tpu.memory_space<hbm>> -> memref<1x1x512x32xf32, #tpu.memory_space<hbm>>
      %dma_start3A_415 = tpu.memref_squeeze %dma_start3A_414 : memref<1x1x512x32xf32, #tpu.memory_space<hbm>> -> memref<512x32xf32, #tpu.memory_space<hbm>>
      %dma_start3A_416 = arith.constant 1024 : i32
      %dma_start3A_417 = arith.constant 0 : i32
      %dma_start3A_418 = tpu.memref_slice %arg6[%dma_start3A_416, %dma_start3A_417] : memref<2560x32xf32, #tpu.memory_space<vmem>> -> memref<512x32xf32, #tpu.memory_space<vmem>>
      tpu.enqueue_dma source(%dma_start3A_418 : memref<512x32xf32, #tpu.memory_space<vmem>>) target(%dma_start3A_415 : memref<512x32xf32, #tpu.memory_space<hbm>>) target_semaphore(%run_scoped3A : memref<!tpu.dma_semaphore, #tpu.memory_space<semaphore_mem>>)
      %dma_wait3A_419 = arith.constant 1024 : i32
      %dma_wait3A_420 = arith.constant 0 : i32
      %dma_wait3A_421 = tpu.memref_slice %arg6[%dma_wait3A_419, %dma_wait3A_420] : memref<2560x32xf32, #tpu.memory_space<vmem>> -> memref<512x32xf32, #tpu.memory_space<vmem>>
      %dma_wait3A_422 = arith.constant 0 : i32
      %dma_wait3A_423 = tpu.memref_slice %arg4[%select_n3A_186, %select_n3A_226, %select_n3A_242, %dma_wait3A_422] : memref<20x4x1024x32xf32, #tpu.memory_space<hbm>> -> memref<1x1x512x32xf32, #tpu.memory_space<hbm>>
      %dma_wait3A_424 = tpu.memref_squeeze %dma_wait3A_423 : memref<1x1x512x32xf32, #tpu.memory_space<hbm>> -> memref<512x32xf32, #tpu.memory_space<hbm>>
      %dma_wait3A_425 = arith.constant 0 : i32
      %dma_wait3A_426 = tpu.memref_slice %arg4[%select_n3A_186, %select_n3A_226, %select_n3A_242, %dma_wait3A_425] : memref<20x4x1024x32xf32, #tpu.memory_space<hbm>> -> memref<1x1x512x32xf32, #tpu.memory_space<hbm>>
      %dma_wait3A_427 = tpu.memref_squeeze %dma_wait3A_426 : memref<1x1x512x32xf32, #tpu.memory_space<hbm>> -> memref<512x32xf32, #tpu.memory_space<hbm>>
      %dma_wait3A_428 = arith.constant 1024 : i32
      %dma_wait3A_429 = arith.constant 0 : i32
      %dma_wait3A_430 = tpu.memref_slice %arg6[%dma_wait3A_428, %dma_wait3A_429] : memref<2560x32xf32, #tpu.memory_space<vmem>> -> memref<512x32xf32, #tpu.memory_space<vmem>>
      tpu.wait_dma2 semaphore(%run_scoped3A : memref<!tpu.dma_semaphore, #tpu.memory_space<semaphore_mem>>) src(%dma_wait3A_430 : memref<512x32xf32, #tpu.memory_space<vmem>>) dst(%dma_wait3A_427 : memref<512x32xf32, #tpu.memory_space<hbm>>)
      tpu.yield
    }) : () -> ()
    %add3A_243 = arith.constant 1536 : i32
    %add3A_244 = arith.addi %mul3A_2, %add3A_243 : i32
    %jit3A_245 = arith.constant 4096 : i32
    %div3A_246 = arith.divsi %add3A_244, %jit3A_245 : i32
    %sign3A_247 = arith.constant 0 : i32
    %sign3A_248 = arith.cmpi sgt, %add3A_244, %sign3A_247 : i32
    %sign3A_249 = arith.extui %sign3A_248 : i1 to i32
    %sign3A_250 = arith.constant 0 : i32
    %sign3A_251 = arith.cmpi slt, %add3A_244, %sign3A_250 : i32
    %sign3A_252 = arith.extui %sign3A_251 : i1 to i32
    %sign3A_253 = arith.subi %sign3A_249, %sign3A_252 : i32
    %sign3A_254 = arith.constant 0 : i32
    %sign3A_255 = arith.cmpi sgt, %jit3A_245, %sign3A_254 : i32
    %sign3A_256 = arith.extui %sign3A_255 : i1 to i32
    %sign3A_257 = arith.constant 0 : i32
    %sign3A_258 = arith.cmpi slt, %jit3A_245, %sign3A_257 : i32
    %sign3A_259 = arith.extui %sign3A_258 : i1 to i32
    %sign3A_260 = arith.subi %sign3A_256, %sign3A_259 : i32
    %ne3A_261 = arith.cmpi ne, %sign3A_253, %sign3A_260 : i32
    %rem3A_262 = arith.remsi %add3A_244, %jit3A_245 : i32
    %ne3A_263 = arith.constant 0 : i32
    %ne3A_264 = arith.cmpi ne, %rem3A_262, %ne3A_263 : i32
    %and3A_265 = arith.andi %ne3A_261, %ne3A_264 : i1
    %sub3A_266 = arith.constant 1 : i32
    %sub3A_267 = arith.subi %div3A_246, %sub3A_266 : i32
    %select_n3A_268 = arith.select %and3A_265, %sub3A_267, %div3A_246 : i32
    %jit3A_269 = arith.constant 1024 : i32
    %div3A_270 = arith.divsi %add3A_244, %jit3A_269 : i32
    %sign3A_271 = arith.constant 0 : i32
    %sign3A_272 = arith.cmpi sgt, %add3A_244, %sign3A_271 : i32
    %sign3A_273 = arith.extui %sign3A_272 : i1 to i32
    %sign3A_274 = arith.constant 0 : i32
    %sign3A_275 = arith.cmpi slt, %add3A_244, %sign3A_274 : i32
    %sign3A_276 = arith.extui %sign3A_275 : i1 to i32
    %sign3A_277 = arith.subi %sign3A_273, %sign3A_276 : i32
    %sign3A_278 = arith.constant 0 : i32
    %sign3A_279 = arith.cmpi sgt, %jit3A_269, %sign3A_278 : i32
    %sign3A_280 = arith.extui %sign3A_279 : i1 to i32
    %sign3A_281 = arith.constant 0 : i32
    %sign3A_282 = arith.cmpi slt, %jit3A_269, %sign3A_281 : i32
    %sign3A_283 = arith.extui %sign3A_282 : i1 to i32
    %sign3A_284 = arith.subi %sign3A_280, %sign3A_283 : i32
    %ne3A_285 = arith.cmpi ne, %sign3A_277, %sign3A_284 : i32
    %rem3A_286 = arith.remsi %add3A_244, %jit3A_269 : i32
    %ne3A_287 = arith.constant 0 : i32
    %ne3A_288 = arith.cmpi ne, %rem3A_286, %ne3A_287 : i32
    %and3A_289 = arith.andi %ne3A_285, %ne3A_288 : i1
    %sub3A_290 = arith.constant 1 : i32
    %sub3A_291 = arith.subi %div3A_270, %sub3A_290 : i32
    %select_n3A_292 = arith.select %and3A_289, %sub3A_291, %div3A_270 : i32
    %jit3A_293 = arith.constant 4 : i32
    %eq3A_294 = arith.constant 0 : i32
    %eq3A_295 = arith.cmpi eq, %jit3A_293, %eq3A_294 : i32
    %jit3A_296 = arith.constant 1 : i32
    %select_n3A_297 = arith.select %eq3A_295, %jit3A_296, %jit3A_293 : i32
    %rem3A_298 = arith.remsi %select_n3A_292, %select_n3A_297 : i32
    %ne3A_299 = arith.constant 0 : i32
    %ne3A_300 = arith.cmpi ne, %rem3A_298, %ne3A_299 : i32
    %lt3A_301 = arith.constant 0 : i32
    %lt3A_302 = arith.cmpi slt, %rem3A_298, %lt3A_301 : i32
    %lt3A_303 = arith.constant 0 : i32
    %lt3A_304 = arith.cmpi slt, %select_n3A_297, %lt3A_303 : i32
    %ne3A_305 = arith.xori %lt3A_302, %lt3A_304 : i1
    %and3A_306 = arith.andi %ne3A_305, %ne3A_300 : i1
    %add3A_307 = arith.addi %rem3A_298, %select_n3A_297 : i32
    %select_n3A_308 = arith.select %and3A_306, %add3A_307, %rem3A_298 : i32
    %jit3A_309 = arith.constant 1024 : i32
    %eq3A_310 = arith.constant 0 : i32
    %eq3A_311 = arith.cmpi eq, %jit3A_309, %eq3A_310 : i32
    %jit3A_312 = arith.constant 1 : i32
    %select_n3A_313 = arith.select %eq3A_311, %jit3A_312, %jit3A_309 : i32
    %rem3A_314 = arith.remsi %add3A_244, %select_n3A_313 : i32
    %ne3A_315 = arith.constant 0 : i32
    %ne3A_316 = arith.cmpi ne, %rem3A_314, %ne3A_315 : i32
    %lt3A_317 = arith.constant 0 : i32
    %lt3A_318 = arith.cmpi slt, %rem3A_314, %lt3A_317 : i32
    %lt3A_319 = arith.constant 0 : i32
    %lt3A_320 = arith.cmpi slt, %select_n3A_313, %lt3A_319 : i32
    %ne3A_321 = arith.xori %lt3A_318, %lt3A_320 : i1
    %and3A_322 = arith.andi %ne3A_321, %ne3A_316 : i1
    %add3A_323 = arith.addi %rem3A_314, %select_n3A_313 : i32
    %select_n3A_324 = arith.select %and3A_322, %add3A_323, %rem3A_314 : i32
    "tpu.region"() ({
      %run_scoped3A = tpu.sem_alloc : memref<!tpu.dma_semaphore, #tpu.memory_space<semaphore_mem>>
      %dma_start3A_407 = arith.constant 1536 : i32
      %dma_start3A_408 = arith.constant 0 : i32
      %dma_start3A_409 = tpu.memref_slice %arg6[%dma_start3A_407, %dma_start3A_408] : memref<2560x32xf32, #tpu.memory_space<vmem>> -> memref<512x32xf32, #tpu.memory_space<vmem>>
      %dma_start3A_410 = arith.constant 0 : i32
      %dma_start3A_411 = tpu.memref_slice %arg4[%select_n3A_268, %select_n3A_308, %select_n3A_324, %dma_start3A_410] : memref<20x4x1024x32xf32, #tpu.memory_space<hbm>> -> memref<1x1x512x32xf32, #tpu.memory_space<hbm>>
      %dma_start3A_412 = tpu.memref_squeeze %dma_start3A_411 : memref<1x1x512x32xf32, #tpu.memory_space<hbm>> -> memref<512x32xf32, #tpu.memory_space<hbm>>
      %dma_start3A_413 = arith.constant 0 : i32
      %dma_start3A_414 = tpu.memref_slice %arg4[%select_n3A_268, %select_n3A_308, %select_n3A_324, %dma_start3A_413] : memref<20x4x1024x32xf32, #tpu.memory_space<hbm>> -> memref<1x1x512x32xf32, #tpu.memory_space<hbm>>
      %dma_start3A_415 = tpu.memref_squeeze %dma_start3A_414 : memref<1x1x512x32xf32, #tpu.memory_space<hbm>> -> memref<512x32xf32, #tpu.memory_space<hbm>>
      %dma_start3A_416 = arith.constant 1536 : i32
      %dma_start3A_417 = arith.constant 0 : i32
      %dma_start3A_418 = tpu.memref_slice %arg6[%dma_start3A_416, %dma_start3A_417] : memref<2560x32xf32, #tpu.memory_space<vmem>> -> memref<512x32xf32, #tpu.memory_space<vmem>>
      tpu.enqueue_dma source(%dma_start3A_418 : memref<512x32xf32, #tpu.memory_space<vmem>>) target(%dma_start3A_415 : memref<512x32xf32, #tpu.memory_space<hbm>>) target_semaphore(%run_scoped3A : memref<!tpu.dma_semaphore, #tpu.memory_space<semaphore_mem>>)
      %dma_wait3A_419 = arith.constant 1536 : i32
      %dma_wait3A_420 = arith.constant 0 : i32
      %dma_wait3A_421 = tpu.memref_slice %arg6[%dma_wait3A_419, %dma_wait3A_420] : memref<2560x32xf32, #tpu.memory_space<vmem>> -> memref<512x32xf32, #tpu.memory_space<vmem>>
      %dma_wait3A_422 = arith.constant 0 : i32
      %dma_wait3A_423 = tpu.memref_slice %arg4[%select_n3A_268, %select_n3A_308, %select_n3A_324, %dma_wait3A_422] : memref<20x4x1024x32xf32, #tpu.memory_space<hbm>> -> memref<1x1x512x32xf32, #tpu.memory_space<hbm>>
      %dma_wait3A_424 = tpu.memref_squeeze %dma_wait3A_423 : memref<1x1x512x32xf32, #tpu.memory_space<hbm>> -> memref<512x32xf32, #tpu.memory_space<hbm>>
      %dma_wait3A_425 = arith.constant 0 : i32
      %dma_wait3A_426 = tpu.memref_slice %arg4[%select_n3A_268, %select_n3A_308, %select_n3A_324, %dma_wait3A_425] : memref<20x4x1024x32xf32, #tpu.memory_space<hbm>> -> memref<1x1x512x32xf32, #tpu.memory_space<hbm>>
      %dma_wait3A_427 = tpu.memref_squeeze %dma_wait3A_426 : memref<1x1x512x32xf32, #tpu.memory_space<hbm>> -> memref<512x32xf32, #tpu.memory_space<hbm>>
      %dma_wait3A_428 = arith.constant 1536 : i32
      %dma_wait3A_429 = arith.constant 0 : i32
      %dma_wait3A_430 = tpu.memref_slice %arg6[%dma_wait3A_428, %dma_wait3A_429] : memref<2560x32xf32, #tpu.memory_space<vmem>> -> memref<512x32xf32, #tpu.memory_space<vmem>>
      tpu.wait_dma2 semaphore(%run_scoped3A : memref<!tpu.dma_semaphore, #tpu.memory_space<semaphore_mem>>) src(%dma_wait3A_430 : memref<512x32xf32, #tpu.memory_space<vmem>>) dst(%dma_wait3A_427 : memref<512x32xf32, #tpu.memory_space<hbm>>)
      tpu.yield
    }) : () -> ()
    %add3A_325 = arith.constant 2048 : i32
    %add3A_326 = arith.addi %mul3A_2, %add3A_325 : i32
    %jit3A_327 = arith.constant 4096 : i32
    %div3A_328 = arith.divsi %add3A_326, %jit3A_327 : i32
    %sign3A_329 = arith.constant 0 : i32
    %sign3A_330 = arith.cmpi sgt, %add3A_326, %sign3A_329 : i32
    %sign3A_331 = arith.extui %sign3A_330 : i1 to i32
    %sign3A_332 = arith.constant 0 : i32
    %sign3A_333 = arith.cmpi slt, %add3A_326, %sign3A_332 : i32
    %sign3A_334 = arith.extui %sign3A_333 : i1 to i32
    %sign3A_335 = arith.subi %sign3A_331, %sign3A_334 : i32
    %sign3A_336 = arith.constant 0 : i32
    %sign3A_337 = arith.cmpi sgt, %jit3A_327, %sign3A_336 : i32
    %sign3A_338 = arith.extui %sign3A_337 : i1 to i32
    %sign3A_339 = arith.constant 0 : i32
    %sign3A_340 = arith.cmpi slt, %jit3A_327, %sign3A_339 : i32
    %sign3A_341 = arith.extui %sign3A_340 : i1 to i32
    %sign3A_342 = arith.subi %sign3A_338, %sign3A_341 : i32
    %ne3A_343 = arith.cmpi ne, %sign3A_335, %sign3A_342 : i32
    %rem3A_344 = arith.remsi %add3A_326, %jit3A_327 : i32
    %ne3A_345 = arith.constant 0 : i32
    %ne3A_346 = arith.cmpi ne, %rem3A_344, %ne3A_345 : i32
    %and3A_347 = arith.andi %ne3A_343, %ne3A_346 : i1
    %sub3A_348 = arith.constant 1 : i32
    %sub3A_349 = arith.subi %div3A_328, %sub3A_348 : i32
    %select_n3A_350 = arith.select %and3A_347, %sub3A_349, %div3A_328 : i32
    %jit3A_351 = arith.constant 1024 : i32
    %div3A_352 = arith.divsi %add3A_326, %jit3A_351 : i32
    %sign3A_353 = arith.constant 0 : i32
    %sign3A_354 = arith.cmpi sgt, %add3A_326, %sign3A_353 : i32
    %sign3A_355 = arith.extui %sign3A_354 : i1 to i32
    %sign3A_356 = arith.constant 0 : i32
    %sign3A_357 = arith.cmpi slt, %add3A_326, %sign3A_356 : i32
    %sign3A_358 = arith.extui %sign3A_357 : i1 to i32
    %sign3A_359 = arith.subi %sign3A_355, %sign3A_358 : i32
    %sign3A_360 = arith.constant 0 : i32
    %sign3A_361 = arith.cmpi sgt, %jit3A_351, %sign3A_360 : i32
    %sign3A_362 = arith.extui %sign3A_361 : i1 to i32
    %sign3A_363 = arith.constant 0 : i32
    %sign3A_364 = arith.cmpi slt, %jit3A_351, %sign3A_363 : i32
    %sign3A_365 = arith.extui %sign3A_364 : i1 to i32
    %sign3A_366 = arith.subi %sign3A_362, %sign3A_365 : i32
    %ne3A_367 = arith.cmpi ne, %sign3A_359, %sign3A_366 : i32
    %rem3A_368 = arith.remsi %add3A_326, %jit3A_351 : i32
    %ne3A_369 = arith.constant 0 : i32
    %ne3A_370 = arith.cmpi ne, %rem3A_368, %ne3A_369 : i32
    %and3A_371 = arith.andi %ne3A_367, %ne3A_370 : i1
    %sub3A_372 = arith.constant 1 : i32
    %sub3A_373 = arith.subi %div3A_352, %sub3A_372 : i32
    %select_n3A_374 = arith.select %and3A_371, %sub3A_373, %div3A_352 : i32
    %jit3A_375 = arith.constant 4 : i32
    %eq3A_376 = arith.constant 0 : i32
    %eq3A_377 = arith.cmpi eq, %jit3A_375, %eq3A_376 : i32
    %jit3A_378 = arith.constant 1 : i32
    %select_n3A_379 = arith.select %eq3A_377, %jit3A_378, %jit3A_375 : i32
    %rem3A_380 = arith.remsi %select_n3A_374, %select_n3A_379 : i32
    %ne3A_381 = arith.constant 0 : i32
    %ne3A_382 = arith.cmpi ne, %rem3A_380, %ne3A_381 : i32
    %lt3A_383 = arith.constant 0 : i32
    %lt3A_384 = arith.cmpi slt, %rem3A_380, %lt3A_383 : i32
    %lt3A_385 = arith.constant 0 : i32
    %lt3A_386 = arith.cmpi slt, %select_n3A_379, %lt3A_385 : i32
    %ne3A_387 = arith.xori %lt3A_384, %lt3A_386 : i1
    %and3A_388 = arith.andi %ne3A_387, %ne3A_382 : i1
    %add3A_389 = arith.addi %rem3A_380, %select_n3A_379 : i32
    %select_n3A_390 = arith.select %and3A_388, %add3A_389, %rem3A_380 : i32
    %jit3A_391 = arith.constant 1024 : i32
    %eq3A_392 = arith.constant 0 : i32
    %eq3A_393 = arith.cmpi eq, %jit3A_391, %eq3A_392 : i32
    %jit3A_394 = arith.constant 1 : i32
    %select_n3A_395 = arith.select %eq3A_393, %jit3A_394, %jit3A_391 : i32
    %rem3A_396 = arith.remsi %add3A_326, %select_n3A_395 : i32
    %ne3A_397 = arith.constant 0 : i32
    %ne3A_398 = arith.cmpi ne, %rem3A_396, %ne3A_397 : i32
    %lt3A_399 = arith.constant 0 : i32
    %lt3A_400 = arith.cmpi slt, %rem3A_396, %lt3A_399 : i32
    %lt3A_401 = arith.constant 0 : i32
    %lt3A_402 = arith.cmpi slt, %select_n3A_395, %lt3A_401 : i32
    %ne3A_403 = arith.xori %lt3A_400, %lt3A_402 : i1
    %and3A_404 = arith.andi %ne3A_403, %ne3A_398 : i1
    %add3A_405 = arith.addi %rem3A_396, %select_n3A_395 : i32
    %select_n3A_406 = arith.select %and3A_404, %add3A_405, %rem3A_396 : i32
    "tpu.region"() ({
      %run_scoped3A = tpu.sem_alloc : memref<!tpu.dma_semaphore, #tpu.memory_space<semaphore_mem>>
      %dma_start3A_407 = arith.constant 2048 : i32
      %dma_start3A_408 = arith.constant 0 : i32
      %dma_start3A_409 = tpu.memref_slice %arg6[%dma_start3A_407, %dma_start3A_408] : memref<2560x32xf32, #tpu.memory_space<vmem>> -> memref<512x32xf32, #tpu.memory_space<vmem>>
      %dma_start3A_410 = arith.constant 0 : i32
      %dma_start3A_411 = tpu.memref_slice %arg4[%select_n3A_350, %select_n3A_390, %select_n3A_406, %dma_start3A_410] : memref<20x4x1024x32xf32, #tpu.memory_space<hbm>> -> memref<1x1x512x32xf32, #tpu.memory_space<hbm>>
      %dma_start3A_412 = tpu.memref_squeeze %dma_start3A_411 : memref<1x1x512x32xf32, #tpu.memory_space<hbm>> -> memref<512x32xf32, #tpu.memory_space<hbm>>
      %dma_start3A_413 = arith.constant 0 : i32
      %dma_start3A_414 = tpu.memref_slice %arg4[%select_n3A_350, %select_n3A_390, %select_n3A_406, %dma_start3A_413] : memref<20x4x1024x32xf32, #tpu.memory_space<hbm>> -> memref<1x1x512x32xf32, #tpu.memory_space<hbm>>
      %dma_start3A_415 = tpu.memref_squeeze %dma_start3A_414 : memref<1x1x512x32xf32, #tpu.memory_space<hbm>> -> memref<512x32xf32, #tpu.memory_space<hbm>>
      %dma_start3A_416 = arith.constant 2048 : i32
      %dma_start3A_417 = arith.constant 0 : i32
      %dma_start3A_418 = tpu.memref_slice %arg6[%dma_start3A_416, %dma_start3A_417] : memref<2560x32xf32, #tpu.memory_space<vmem>> -> memref<512x32xf32, #tpu.memory_space<vmem>>
      tpu.enqueue_dma source(%dma_start3A_418 : memref<512x32xf32, #tpu.memory_space<vmem>>) target(%dma_start3A_415 : memref<512x32xf32, #tpu.memory_space<hbm>>) target_semaphore(%run_scoped3A : memref<!tpu.dma_semaphore, #tpu.memory_space<semaphore_mem>>)
      %dma_wait3A_419 = arith.constant 2048 : i32
      %dma_wait3A_420 = arith.constant 0 : i32
      %dma_wait3A_421 = tpu.memref_slice %arg6[%dma_wait3A_419, %dma_wait3A_420] : memref<2560x32xf32, #tpu.memory_space<vmem>> -> memref<512x32xf32, #tpu.memory_space<vmem>>
      %dma_wait3A_422 = arith.constant 0 : i32
      %dma_wait3A_423 = tpu.memref_slice %arg4[%select_n3A_350, %select_n3A_390, %select_n3A_406, %dma_wait3A_422] : memref<20x4x1024x32xf32, #tpu.memory_space<hbm>> -> memref<1x1x512x32xf32, #tpu.memory_space<hbm>>
      %dma_wait3A_424 = tpu.memref_squeeze %dma_wait3A_423 : memref<1x1x512x32xf32, #tpu.memory_space<hbm>> -> memref<512x32xf32, #tpu.memory_space<hbm>>
      %dma_wait3A_425 = arith.constant 0 : i32
      %dma_wait3A_426 = tpu.memref_slice %arg4[%select_n3A_350, %select_n3A_390, %select_n3A_406, %dma_wait3A_425] : memref<20x4x1024x32xf32, #tpu.memory_space<hbm>> -> memref<1x1x512x32xf32, #tpu.memory_space<hbm>>
      %dma_wait3A_427 = tpu.memref_squeeze %dma_wait3A_426 : memref<1x1x512x32xf32, #tpu.memory_space<hbm>> -> memref<512x32xf32, #tpu.memory_space<hbm>>
      %dma_wait3A_428 = arith.constant 2048 : i32
      %dma_wait3A_429 = arith.constant 0 : i32
      %dma_wait3A_430 = tpu.memref_slice %arg6[%dma_wait3A_428, %dma_wait3A_429] : memref<2560x32xf32, #tpu.memory_space<vmem>> -> memref<512x32xf32, #tpu.memory_space<vmem>>
      tpu.wait_dma2 semaphore(%run_scoped3A : memref<!tpu.dma_semaphore, #tpu.memory_space<semaphore_mem>>) src(%dma_wait3A_430 : memref<512x32xf32, #tpu.memory_space<vmem>>) dst(%dma_wait3A_427 : memref<512x32xf32, #tpu.memory_space<hbm>>)
      tpu.yield
    }) : () -> ()
    return
  }
}

module attributes {stable_mosaic.version = 14 : i64} {
  func.func @body(%arg0: i32, %arg1: memref<4x32x32xf32, #tpu.memory_space<vmem>>, %arg2: memref<2x4x1024x32xf32, #tpu.memory_space<vmem>>, %arg3: memref<4x2x32x1024xf32, #tpu.memory_space<vmem>>) attributes {dimension_semantics = [#tpu.dimension_semantics<arbitrary>], iteration_bounds = array<i64: 10>, scalar_prefetch = 0 : i64, scratch_operands = 0 : i64, tpu.core_type = #tpu.core_type<tc>, window_params = [{pipeline_mode = #tpu.pipeline_mode<synchronous>, transform_indices = @transform_0, window_bounds = array<i64: 4, 32, 32>}, {transform_indices = @transform_1, window_bounds = array<i64: 2, 4, 1024, 32>}, {transform_indices = @transform_2, window_bounds = array<i64: 4, 2, 32, 1024>}]} {
    %get3A = arith.constant 0 : index
    %get3A_0 = arith.constant 0 : index
    %get3A_1 = arith.constant 0 : index
    %get3A_2 = vector.load %arg1[%get3A, %get3A_0, %get3A_1] : memref<4x32x32xf32, #tpu.memory_space<vmem>>, vector<4x32x32xf32>
    %get3A_3 = arith.constant 0 : index
    %get3A_4 = arith.constant 0 : index
    %get3A_5 = arith.constant 0 : index
    %get3A_6 = arith.constant 0 : index
    %get3A_7 = vector.load %arg2[%get3A_3, %get3A_4, %get3A_5, %get3A_6] : memref<2x4x1024x32xf32, #tpu.memory_space<vmem>>, vector<1x4x1024x32xf32>
    %get3A_8 = vector.shape_cast %get3A_7 : vector<1x4x1024x32xf32> to vector<4x1024x32xf32>
    %dot_general3A = arith.constant dense<0.000000e+00> : vector<4x32x1024xf32>
    %dot_general3A_9 = tpu.matmul %get3A_2, %get3A_8, %dot_general3A {dimension_numbers = #tpu.dot_dimension_numbers<[1], [2], [2], [1], [0, 0, 0, 2, 1, 1], [0], [0]>, transpose_lhs_hint = false} : vector<4x32x32xf32>, vector<4x1024x32xf32>, vector<4x32x1024xf32> -> vector<4x32x1024xf32>
    %swap3A = arith.constant 0 : index
    %swap3A_10 = arith.constant 0 : index
    %swap3A_11 = arith.constant 0 : index
    %swap3A_12 = arith.constant 0 : index
    %swap3A_13 = vector.load %arg3[%swap3A, %swap3A_10, %swap3A_11, %swap3A_12] : memref<4x2x32x1024xf32, #tpu.memory_space<vmem>>, vector<4x1x32x1024xf32>
    %swap3A_14 = vector.shape_cast %swap3A_13 : vector<4x1x32x1024xf32> to vector<4x32x1024xf32>
    %swap3A_15 = vector.shape_cast %dot_general3A_9 : vector<4x32x1024xf32> to vector<4x1x32x1024xf32>
    tpu.vector_store %arg3[%swap3A, %swap3A_10, %swap3A_11, %swap3A_12], %swap3A_15 {strides = array<i32>} : memref<4x2x32x1024xf32, #tpu.memory_space<vmem>>, vector<4x1x32x1024xf32>,
    %get3A_16 = arith.constant 0 : index
    %get3A_17 = arith.constant 0 : index
    %get3A_18 = arith.constant 0 : index
    %get3A_19 = vector.load %arg1[%get3A_16, %get3A_17, %get3A_18] : memref<4x32x32xf32, #tpu.memory_space<vmem>>, vector<4x32x32xf32>
    %get3A_20 = arith.constant 1 : index
    %get3A_21 = arith.constant 0 : index
    %get3A_22 = arith.constant 0 : index
    %get3A_23 = arith.constant 0 : index
    %get3A_24 = vector.load %arg2[%get3A_20, %get3A_21, %get3A_22, %get3A_23] : memref<2x4x1024x32xf32, #tpu.memory_space<vmem>>, vector<1x4x1024x32xf32>
    %get3A_25 = vector.shape_cast %get3A_24 : vector<1x4x1024x32xf32> to vector<4x1024x32xf32>
    %dot_general3A_26 = arith.constant dense<0.000000e+00> : vector<4x32x1024xf32>
    %dot_general3A_27 = tpu.matmul %get3A_19, %get3A_25, %dot_general3A_26 {dimension_numbers = #tpu.dot_dimension_numbers<[1], [2], [2], [1], [0, 0, 0, 2, 1, 1], [0], [0]>, transpose_lhs_hint = false} : vector<4x32x32xf32>, vector<4x1024x32xf32>, vector<4x32x1024xf32> -> vector<4x32x1024xf32>
    %swap3A_28 = arith.constant 0 : index
    %swap3A_29 = arith.constant 1 : index
    %swap3A_30 = arith.constant 0 : index
    %swap3A_31 = arith.constant 0 : index
    %swap3A_32 = vector.load %arg3[%swap3A_28, %swap3A_29, %swap3A_30, %swap3A_31] : memref<4x2x32x1024xf32, #tpu.memory_space<vmem>>, vector<4x1x32x1024xf32>
    %swap3A_33 = vector.shape_cast %swap3A_32 : vector<4x1x32x1024xf32> to vector<4x32x1024xf32>
    %swap3A_34 = vector.shape_cast %dot_general3A_27 : vector<4x32x1024xf32> to vector<4x1x32x1024xf32>
    tpu.vector_store %arg3[%swap3A_28, %swap3A_29, %swap3A_30, %swap3A_31], %swap3A_34 {strides = array<i32>} : memref<4x2x32x1024xf32, #tpu.memory_space<vmem>>, vector<4x1x32x1024xf32>,
    return
  }
  func.func @transform_0(%arg0: i32) -> (i32, i32, i32) {
    %c0_i32 = arith.constant 0 : i32
    %c0_i32_0 = arith.constant 0 : i32
    %c0_i32_1 = arith.constant 0 : i32
    %c0_i32_2 = arith.constant 0 : i32
    return %c0_i32, %c0_i32_0, %c0_i32_1 : i32, i32, i32
  }
  func.func @transform_1(%arg0: i32) -> (i32, i32, i32, i32) {
    %c0_i32 = arith.constant 0 : i32
    %c0_i32_0 = arith.constant 0 : i32
    %c0_i32_1 = arith.constant 0 : i32
    %c0_i32_2 = arith.constant 0 : i32
    return %arg0, %c0_i32, %c0_i32_0, %c0_i32_1 : i32, i32, i32, i32
  }
  func.func @transform_2(%arg0: i32) -> (i32, i32, i32, i32) {
    %c0_i32 = arith.constant 0 : i32
    %c0_i32_0 = arith.constant 0 : i32
    %c0_i32_1 = arith.constant 0 : i32
    %c0_i32_2 = arith.constant 0 : i32
    return %c0_i32, %arg0, %c0_i32_0, %c0_i32_1 : i32, i32, i32, i32
  }
}

</mosaic_0001>

<sc_bundles>
// kernel: kernel.4.cloned.1.call-start
scs
__scs_entry_jumppad:
0x0: {  	(pc) =	sbr.rel $0x88, $3  }
0x1: {  	(tag) =	ssettag $0x0;
	lr =	simm.s32 $0x1  }
0x2: {  	[smem:$0x3F9E] =	sst lr;
	_ =	strace $0xD0000000  }
0x3: {  	_ = 	snop  }
0x4: {  	_ = 	snop  }
0x5: {  	_ = 	snop  }
0x6: {  	_ = 	snop  }
0x7: {  	_ = 	snop  }
__scs_overlays_trampoline_lowered:
0x8: {  	[smem:$0x3FAD] =	sst s0  }
0x9: {  	[smem:$0x3FAE] =	sst s1  }
0xa: {  	[smem:$0x3FAF] =	sst s2  }
0xb: {  	[smem:$0x3FB0] =	sst s3  }
0xc: {  	[smem:$0x3FB1] =	sst s4  }
0xd: {  	[smem:$0x3FB2] =	sst s5  }
0xe: {  	[smem:$0x3FB3] =	sst s6  }
0xf: {  	[smem:$0x3FB4] =	sst s7  }
0x10: {  	[smem:$0x3FB5] =	sst s8  }
0x11: {  	[smem:$0x3FB6] =	sst s9;
	s0 =	simm.s32 @!p0 $0x0  }
0x12: {  	s1 =	sld [smem:$0x3F9C];
	s0 =	simm.s32 @p0 $0x1  }
0x13: {  	[smem:$0x3FB7] =	sst s0;
	s0 =	simm.s32 @!p1 $0x0  }
0x14: {  	s2 =	sld [smem:$0x3F9B];
	s0 =	simm.s32 @p1 $0x1  }
0x15: {  	[smem:$0x3FB8] =	sst s0;
	s0 =	simm.s32 @!p2 $0x0  }
0x16: {  	s3 =	sld [smem:$0x3FDB];
	s0 =	simm.s32 @p2 $0x1  }
0x17: {  	s4 =	simm.s32 $0x1BF5;
	[smem:$0x3FBA] =	sst s0  }
0x18: {  	s0 =	sld [smem:$0x3F9D];
	_ =	swait.ge [sflag:s4], $0x0  }
0x19: {  	s7 =	sld [smem:$0x3F9E]  }
0x1a: {  	s8 =	sadd.s32 $0xFFFFE003, lr  }
0x1b: {  	s9 =	sadd.s32 $0xFFFFFEF7, lr;
	s5 =	simm.s32 $0xFFFFFFFF;
	p2 =	slt.u32 s8, $0xFFFFF086  }
0x1c: {  	p1 =	slt.u32 s9, $0xF7A;
	s5 =	simm.s32 @!p2 $0x0  }
0x1d: {  	s5 =	simm.s32 @p1 $0x1;
	p0 =	seq.s32 s7, s2  }
0x1e: {  	s7 =	smul.u32 @!p0 $0xF7A, s2;
	p2 =	seq.s32 @!p0 s5, $0x0  }
0x1f: {  	s9 =	smul.u32 $0xF7A, s1;
	s8 =	simm.s32 @!p0 $0x1BF5;
	p2 =	por !p2, p0  }
0x20: {  	[sflag:s8] =	ssyncset.s32 @!p0 $0xFFFFF086;
	s6 =	sadd.s32 @!p0 s3, s7;
	s7 =	simm.s32 @!p0 $0x108  }
0x21: {  	s3 =	sadd.s32 s3, s9;
	s6 =	sadd.s32 @!p0 $0x88, s6;
	s7 =	simm.s32 @p2 $0x1082  }
0x22: {  	[simem:s7], [sflag:s8] =	dma.local @!p0 [hbm:s6], $0xF7A  }
0x23: {  	s9 =	sor.u32 $0xD0000000, s2;
	s6 =	simm.s32 $0x108;
	_ =	swait.ge @!p0 [sflag:s8], $0x0  }
0x24: {  	s3 =	sadd.s32 $0x88, s3;
	s6 =	simm.s32 @!p1 $0x1082;
	[sflag:s4] =	ssyncset.s32 $0xFFFFF086  }
0x25: {  	[simem:s6], [sflag:s4] =	dma.local [hbm:s3], $0xF7A  }
0x26: {  	[smem:$0x3F9E] =	sst s1;
	(tag) =	ssettag s2;
	_ =	strace s9  }
0x27: {  	s1 =	sld [smem:$0x3FAE]  }
0x28: {  	s2 =	sld [smem:$0x3FAF]  }
0x29: {  	s4 =	sld [smem:$0x3FB1]  }
0x2a: {  	p0 =	seq.s32 s5, $0x0;
	s5 =	sld [smem:$0x3FB2]  }
0x2b: {  	s6 =	sld [smem:$0x3FB3]  }
0x2c: {  	s7 =	sld [smem:$0x3FB4]  }
0x2d: {  	s3 =	simm.s32 $0x108;
	s8 =	sld [smem:$0x3FB5]  }
0x2e: {  	s3 =	simm.s32 @!p0 $0x1082;
	s9 =	sld [smem:$0x3FB6]  }
0x2f: {  	lr =	sadd.s32 s0, s3;
	s0 =	sld [smem:$0x3FAD]  }
0x30: {  	s3 =	sld [smem:$0x3FB0]  }
0x31: {  	[smem:$0x3FB9] =	sst s10  }
0x32: {  	s10 =	sld [smem:$0x3FB7];
	_ =	sdelay $0x3  }
0x33: {  	p0 =	seq.s32 s10, $0x1;
	s10 =	sld [smem:$0x3FB9];
	_ =	sdelay $0x3  }
0x34: {  	[smem:$0x3FB9] =	sst s10  }
0x35: {  	s10 =	sld [smem:$0x3FB8];
	_ =	sdelay $0x3  }
0x36: {  	p1 =	seq.s32 s10, $0x1;
	s10 =	sld [smem:$0x3FB9];
	_ =	sdelay $0x3  }
0x37: {  	[smem:$0x3FB9] =	sst s10  }
0x38: {  	s10 =	sld [smem:$0x3FBA]  }
0x39: {  	_ = 	snop;
	(pc) =	sbr.ind lr, $3  }
0x3a: {  	_ = 	snop  }
0x3b: {  	_ = 	snop  }
0x3c: {  	p2 =	seq.s32 s10, $0x1;
	s10 =	sld [smem:$0x3FB9]  }
0x3d: {  	_ =	shalt  }
0x3e: {  	_ =	shalt  }
0x3f: {  	_ =	shalt  }
0x40: {  	_ =	shalt  }
0x41: {  	_ =	shalt  }
0x42: {  	_ =	shalt  }
0x43: {  	_ =	shalt  }
0x44: {  	_ =	shalt  }
0x45: {  	_ =	shalt  }
0x46: {  	_ =	shalt  }
0x47: {  	_ =	shalt  }
0x48: {  	_ =	shalt  }
0x49: {  	_ =	shalt  }
0x4a: {  	_ =	shalt  }
0x4b: {  	_ =	shalt  }
0x4c: {  	_ =	shalt  }
0x4d: {  	_ =	shalt  }
0x4e: {  	_ =	shalt  }
0x4f: {  	_ =	shalt  }
0x50: {  	_ =	shalt  }
0x51: {  	_ =	shalt  }
0x52: {  	_ =	shalt  }
0x53: {  	_ =	shalt  }
0x54: {  	_ =	shalt  }
0x55: {  	_ =	shalt  }
0x56: {  	_ =	shalt  }
0x57: {  	_ =	shalt  }
0x58: {  	_ =	shalt  }
0x59: {  	_ =	shalt  }
0x5a: {  	_ =	shalt  }
0x5b: {  	_ =	shalt  }
0x5c: {  	_ =	shalt  }
0x5d: {  	_ =	shalt  }
0x5e: {  	_ =	shalt  }
0x5f: {  	_ =	shalt  }
0x60: {  	_ =	shalt  }
0x61: {  	_ =	shalt  }
0x62: {  	_ =	shalt  }
0x63: {  	_ =	shalt  }
0x64: {  	_ =	shalt  }
0x65: {  	_ =	shalt  }
0x66: {  	_ =	shalt  }
0x67: {  	_ =	shalt  }
0x68: {  	_ =	shalt  }
0x69: {  	_ =	shalt  }
0x6a: {  	_ =	shalt  }
0x6b: {  	_ =	shalt  }
0x6c: {  	_ =	shalt  }
0x6d: {  	_ =	shalt  }
0x6e: {  	_ =	shalt  }
0x6f: {  	_ =	shalt  }
0x70: {  	_ =	shalt  }
0x71: {  	_ =	shalt  }
0x72: {  	_ =	shalt  }
0x73: {  	_ =	shalt  }
0x74: {  	_ =	shalt  }
0x75: {  	_ =	shalt  }
0x76: {  	_ =	shalt  }
0x77: {  	_ =	shalt  }
0x78: {  	_ =	shalt  }
0x79: {  	_ =	shalt  }
0x7a: {  	_ =	shalt  }
0x7b: {  	_ =	shalt  }
0x7c: {  	_ =	shalt  }
0x7d: {  	_ =	shalt  }
0x7e: {  	_ =	shalt  }
0x7f: {  	_ =	shalt  }
0x80: {  	_ =	shalt  }
0x81: {  	_ =	shalt  }
0x82: {  	_ =	shalt  }
0x83: {  	_ =	shalt  }
0x84: {  	_ =	shalt  }
0x85: {  	_ =	shalt  }
0x86: {  	_ =	shalt  }
0x87: {  	_ =	shalt  }
.Lfunc_end0:
.L_simem_size_0:
called_computation_lowered:
.L_overlay_start_0:
0x88: {  	s2 =	sld [smem:$0x3FD9]  }
0x89: {  	s3 =	sld [smem:$0x3FFE];
	_ =	sdelay $0x1  }
0x8a: {  	s1 =	srdreg.scid  }
0x8b: {  	s0 =	sand.u32 $0x1, s1  }
0x8c: {  	s17 =	sshll.u32 s0, $0xA;
	s2 =	sadd.s32 s3, s2  }
0x8d: {  	s2 =	sadd.s32 s2, s17  }
0x8e: {  	[smem:$0x3FC5] =	sst s2  }
0x8f: {  	_ = 	snop  }
0x90: {  	s2 =	sld [smem:$0x3FD0];
	(tm) =	ssettm $0x1  }
0x91: {  	s18 =	sld [smem:$0x3FFB];
	_ =	sdelay $0x3  }
0x92: {  	_ =	strace s18  }
0x93: {  	s3 =	sld [smem:$0x3FFC];
	_ =	sdelay $0x3  }
0x94: {  	_ =	strace s3  }
0x95: {  	s3 =	sld [smem:$0x3FFD];
	_ =	sdelay $0x3  }
0x96: {  	_ =	strace s3  }
0x97: {  	_ =	strace $0x8FFFFFFF  }
0x98: {  	s19 =	sld [smem:$0x3FDB];
	_ =	sdelay $0x1  }
0x99: {  	s4 =	simm.s32 $_scs_section_size  }
0x9a: {  	s5 =	simm.s32 $_size__tile_overlayer_lowered;
	s6 =	simm.s32 $_tile_overlayer_lowered  }
0x9b: {  	s22 =	simm.s32 $0x1BFF;
	s21 =	sshll.u32 s6, $0x1;
	s3 =	sadd.s32 s4, s19  }
0x9c: {  	s7 =	simm.s32 $0x0;
	s20 =	sshll.u32 s5, $0x1;
	s5 =	sadd.s32 s21, s3  }
0x9d: {  	[timem:s7], [sflag:s22] =	dma.local [hbm:s5], s20  }
0x9e: {  	_ =	swait.ge [sflag:s22], s20  }
0x9f: {  	s4 =	ssub.s32 $0x0, s20;
	[sflag:s22] =	ssyncset.done $0x0  }
0xa0: {  	[sflag:s22] =	ssyncadd.s32 s4;
	_ =	sdelay $0x1  }
0xa1: {  	s23 =	simm.s32 $0x1B8B  }
0xa2: {  	_ =	swait.ge [sflag:s23], $0x1  }
0xa3: {  	[sflag:s23] =	ssyncset.done $0x0  }
0xa4: {  	s25 =	simm.s32 $0x1B8E;
	s24 =	sld [smem:$0x3FFE];
	[sflag:s23] =	ssyncadd.s32 $0xFFFFFFFF  }
0xa5: {  	s26 =	simm.s32 $execute0_lowered;
	[smem:$0x3FD2] =	sst s25  }
0xa6: {  	s5 =	sshll.u32 s26, $0x1;
	_ =	strace $0x80000046;
	[dreg:$0x1] =	wrdreg $0xFFFFFFFF  }
0xa7: {  	s28 =	simm.s32 $_size_execute0_lowered;
	s3 =	sadd.s32 s3, s5;
	[dreg:$0x0] =	wrdreg $0x0  }
0xa8: {  	s5 =	sshll.u32 s28, $0x1;
	[dreg:$0x2] =	wrdreg s3  }
0xa9: {  	[dreg:$0x3] =	wrdreg s5  }
0xaa: {  	[dreg:$0x4] =	wrdreg $0xC0  }
0xab: {  	_ =	task [dreg:s7], $0x5FFFF  }
0xac: {  	[dreg:$0x1] =	wrdreg $0xFFFFFFFF  }
0xad: {  	[dreg:$0x0] =	wrdreg $0x60  }
0xae: {  	[dreg:$0x2] =	wrdreg s24  }
0xaf: {  	[dreg:$0x3] =	wrdreg s2  }
0xb0: {  	[dreg:$0x4] =	wrdreg $0x9  }
0xb1: {  	_ =	task.clear_ibuf [dreg:s7], $0x5FFFF;
	_ =	strace $0x90000046  }
0xb2: {  	s29 =	simm.s32 $0x9;
	_ =	strace $0x80000048  }
0xb3: {  	_ =	swait.ge [sflag:s29], $0x1  }
0xb4: {  	[sflag:s29] =	ssyncadd.s32 $0xFFFFFFFF  }
0xb5: {  	_ =	strace $0x90000048  }
0xb6: {  	_ =	sfence  }
0xb7: {  	s30 =	sld [smem:$0x0];
	_ =	sdelay $0x2  }
0xb8: {  	s31 =	sshll.u32 s1, $0xD;
	s1 =	sshrl.u32 s1, $0x2  }
0xb9: {  	s3 =	sand.u32 $0x4000, s31;
	s1 =	sadd.s32 s1, s30  }
0xba: {  	s0 =	sor.u32 s3, s0;
	s1 =	sshll.u32 s1, $0x11  }
0xbb: {  	s0 =	sor.u32 s1, s0  }
0xbc: {  	s0 =	sadd.s32 $0x8F2B, s0  }
0xbd: {  	[sflag:s0] =	ssyncadd.remote.s32 $0x1  }
0xbe: {  	_ =	sfence.sel $0xFFFF  }
0xbf: {  	[dreg:$0x0] =	wrdreg $0xFFFFFFFF;
	(pc) =	sbr.abs _section_cstart, $3  }
0xc0: {  	[dreg:$0x1] =	wrdreg $0xFFFFFFFF  }
0xc1: {  	_ =	task.clear_ibuf [dreg:s7], $0x2FFFF;
	_ =	strace $0x9FFFFFFF  }
0xc2: {  	(tm) =	ssettm $0x7FFFFFFF  }
0xc3: {  	_ =	shalt  }
tec
execute0_lowered:
.L_overlay_start_1:
0x0: {  	(tag) =	ssettag $0x1  }
0x1: {  	s1 =	srdreg.scid;
	s0 =	stileid.u32  }
0x2: {  	s13 =	sand.u32 $0x1, s1;
	s30 =	sshll.u32 s0, $0x1  }
0x3: {  	s5 =	rddreg [dreg:$0x0];
	s4 =	sor.u32 s13, s30  }
0x4: {  	s15 =	rddreg [dreg:$0x1];
	s2 =	simm.s32 $0x0;
	s3 =	smul.u32 $0x140, s4  }
0x5: {  	[smem:$0x7FF] =	sst s2  }
0x6: {  	s1 =	rddreg [dreg:$0x2];
	_ =	strace $0x80000047;
	s3 =	sadd.s32 s3, s5  }
0x7: {  	s14 =	smul.u32 $0x14000, s4;
	s4 =	simm.s32 $0x2;
	s3 =	sadd.s32 $0x800, s3  }
0x8: {  	[tilespmem:s2], [sflag:$0x2] =	stream.linear.gather [hbm4b:s3+s2], $0xA00, $0x38;
	[tilespmem:$0x14A00] =	vst v63  }
0x9: {  	s6 =	simm.s32 $0xA00;
	_ =	swait.ge [sflag:s4], $0xA00  }
0xa: {  	s7 =	simm.s32 $0x1;
	s16 =	sshll.u32 s13, $0xE;
	[sflag:s4] =	ssyncset.done $0x0  }
0xb: {  	s5 =	sadd.s32 $0x187200, s5;
	s8 =	sand.u32 $0x3F8000, s14;
	[sflag:s4] =	ssyncadd.s32 $0xFFFFF600  }
0xc: {  	[tilespmem:s6], [sflag:$0x1] =	stream.indirect.gather [hbm4b:s5+s6], $0x20, s2, s6, $0xb8;
	[tilespmem:$0x14A00] =	vst v63  }
0xd: {  	s8 =	sor.u32 s16, s8;
	_ =	swait.ge [sflag:s7], $0x14000  }
0xe: {  	s8 =	sshrl.u32 s8, $0x3;
	[sflag:s7] =	ssyncset.done $0x0  }
0xf: {  	s12 =	simm.s32 $0x8A00;
	s8 =	sadd.s32 s15, s8;
	[sflag:s7] =	ssyncadd.s32 $0xFFFEC000  }
0x10: {  	[hbm4b:s8+s2] =	stream.linear.scatter [tilespmem:s6], [sflag:$0x2], $0x4000, $0x38;
	[tilespmem:$0x14A00] =	vst v63  }
0x11: {  	s9 =	sshrl.u32 s14, $0x3;
	s10 =	sadd.s32 $0x8000, s14;
	_ =	swait.ge [sflag:s4], $0x4000  }
0x12: {  	s17 =	sadd.s32 s15, s9;
	s11 =	sand.u32 $0x7F8000, s10;
	[sflag:s4] =	ssyncset.done $0x0  }
0x13: {  	s10 =	simm.s32 $0x4A00;
	s9 =	sadd.s32 $0x800, s17;
	[sflag:s4] =	ssyncadd.s32 $0xFFFFC000  }
0x14: {  	[hbm4b:s9+s2] =	stream.linear.scatter [tilespmem:s10], [sflag:$0x2], $0x4000, $0x38;
	[tilespmem:$0x14A00] =	vst v63  }
0x15: {  	s18 =	ssub.s32 $0x2, s13;
	s11 =	sor.u32 s16, s11;
	_ =	swait.ge [sflag:s4], $0x4000  }
0x16: {  	s31 =	sshrl.u32 s18, $0x1;
	s11 =	sshrl.u32 s11, $0x3;
	[sflag:s4] =	ssyncset.done $0x0  }
0x17: {  	s14 =	sadd.s32 $0x10000, s14;
	s11 =	sadd.s32 s15, s11;
	[sflag:s4] =	ssyncadd.s32 $0xFFFFC000  }
0x18: {  	[hbm4b:s11+s2] =	stream.linear.scatter [tilespmem:s12], [sflag:$0x2], $0x4000, $0x38;
	[tilespmem:$0x14A00] =	vst v63  }
0x19: {  	s14 =	sand.u32 $0x7F8000, s14;
	s13 =	sadd.s32 $0x1800, s17;
	_ =	swait.ge [sflag:s4], $0x4000  }
0x1a: {  	s16 =	sor.u32 s16, s14;
	s17 =	ssub.s32 s18, s31;
	[sflag:s4] =	ssyncset.done $0x0  }
0x1b: {  	s14 =	simm.s32 $0xCA00;
	s17 =	smax.u32 s17, $0x1;
	[sflag:s4] =	ssyncadd.s32 $0xFFFFC000  }
0x1c: {  	[hbm4b:s13+s2] =	stream.linear.scatter [tilespmem:s14], [sflag:$0x2], $0x4000, $0x38;
	[tilespmem:$0x14A00] =	vst v63  }
0x1d: {  	p0 =	sne.s32 s17, $0x1;
	_ =	swait.ge [sflag:s4], $0x4000  }
.Ltmp0:
0x1e: {  	s16 =	sshrl.u32 s16, $0x3;
	[sflag:s4] =	ssyncset.done $0x0;
	(pc) =	sbr.rel @!p0 .LBB2_2-.Ltmp0, $4  }
0x1f: {  	s15 =	sadd.s32 s15, s16;
	s16 =	simm.s32 $0x10A00;
	[sflag:s4] =	ssyncadd.s32 $0xFFFFC000  }
0x20: {  	[hbm4b:s15+s2] =	stream.linear.scatter [tilespmem:s16], [sflag:$0x2], $0x4000, $0x38;
	[tilespmem:$0x14A00] =	vst v63  }
0x21: {  	_ =	swait.ge [sflag:s4], $0x4000  }
0x22: {  	s17 =	sadd.s32 $0xFFFFFFFF, s17;
	[sflag:s4] =	ssyncset.done $0x0  }
.LBB2_1:
0x23: {  	p0 =	sne.s32 s17, $0x1;
	s17 =	sadd.s32 $0xFFFFFFFF, s17;
	[sflag:s4] =	ssyncadd.s32 $0xFFFFC000  }
0x24: {  	[tilespmem:s2], [sflag:$0x2] =	stream.linear.gather [hbm4b:s3+s2], $0xA00, $0x38;
	[tilespmem:$0x14A00] =	vst v63  }
0x25: {  	_ =	swait.ge [sflag:s4], $0xA00  }
0x26: {  	[sflag:s4] =	ssyncset.done $0x0  }
0x27: {  	[sflag:s4] =	ssyncadd.s32 $0xFFFFF600  }
0x28: {  	[tilespmem:s6], [sflag:$0x1] =	stream.indirect.gather [hbm4b:s5+s6], $0x20, s2, s6, $0xb8;
	[tilespmem:$0x14A00] =	vst v63  }
0x29: {  	_ =	swait.ge [sflag:s7], $0x14000  }
0x2a: {  	[sflag:s7] =	ssyncset.done $0x0  }
0x2b: {  	[sflag:s7] =	ssyncadd.s32 $0xFFFEC000  }
0x2c: {  	[hbm4b:s8+s2] =	stream.linear.scatter [tilespmem:s6], [sflag:$0x2], $0x4000, $0x38;
	[tilespmem:$0x14A00] =	vst v63  }
0x2d: {  	_ =	swait.ge [sflag:s4], $0x4000  }
0x2e: {  	[sflag:s4] =	ssyncset.done $0x0  }
0x2f: {  	[sflag:s4] =	ssyncadd.s32 $0xFFFFC000  }
0x30: {  	[hbm4b:s9+s2] =	stream.linear.scatter [tilespmem:s10], [sflag:$0x2], $0x4000, $0x38;
	[tilespmem:$0x14A00] =	vst v63  }
0x31: {  	_ =	swait.ge [sflag:s4], $0x4000  }
0x32: {  	[sflag:s4] =	ssyncset.done $0x0  }
0x33: {  	[sflag:s4] =	ssyncadd.s32 $0xFFFFC000  }
0x34: {  	[hbm4b:s11+s2] =	stream.linear.scatter [tilespmem:s12], [sflag:$0x2], $0x4000, $0x38;
	[tilespmem:$0x14A00] =	vst v63  }
0x35: {  	_ =	swait.ge [sflag:s4], $0x4000  }
0x36: {  	[sflag:s4] =	ssyncset.done $0x0  }
0x37: {  	[sflag:s4] =	ssyncadd.s32 $0xFFFFC000  }
0x38: {  	[hbm4b:s13+s2] =	stream.linear.scatter [tilespmem:s14], [sflag:$0x2], $0x4000, $0x38;
	[tilespmem:$0x14A00] =	vst v63  }
0x39: {  	_ =	swait.ge [sflag:s4], $0x4000  }
.Ltmp1:
0x3a: {  	[sflag:s4] =	ssyncset.done $0x0;
	(pc) =	sbr.rel @p0 .LBB2_1-.Ltmp1, $4  }
0x3b: {  	[sflag:s4] =	ssyncadd.s32 $0xFFFFC000  }
0x3c: {  	[hbm4b:s15+s2] =	stream.linear.scatter [tilespmem:s16], [sflag:$0x2], $0x4000, $0x38;
	[tilespmem:$0x14A00] =	vst v63  }
0x3d: {  	_ =	swait.ge [sflag:s4], $0x4000  }
0x3e: {  	[sflag:s4] =	ssyncset.done $0x0  }
.LBB2_2:
0x3f: {  	[sflag:s4] =	ssyncadd.s32 $0xFFFFC000  }
0x40: {  	_ =	sfence.sel $0x180000  }
0x41: {  	[bflag:$0x0] =	sbarrier.arrive $0xFFFF  }
0x42: {  	p0 =	sne.s32 s0, $0x0;
	_ =	strace $0x90000047  }
0x43: {  	s0 =	sadd.s32 @!p0 $0x100000, s1;
	[bflag:$0x2] =	sbarrier.arrive $0xFFFF  }
0x44: {  	[sflag:s0] =	ssyncadd.tile.s32 @!p0 $0x1;
	_ =	shalt  }
.Lfunc_end2:
_tile_overlayer_lowered:
.L_overlay_start_2:
0x45: {  	(tag) =	ssettag $0x2  }
0x46: {  	s0 =	rddreg [dreg:$0x0];
	s2 =	stileid.u32  }
0x47: {  	s1 =	rddreg [dreg:$0x1];
	p0 =	sne.s32 s2, $0x0  }
0x48: {  	s3 =	rddreg [dreg:$0x2];
	[bflag:$0x3] =	sbarrier.arrive $0xFFFF;
	s2 =	simm.s32 @!p0 $0x1C02  }
0x49: {  	[timem:s3], [sflag:s2] =	dma.local @!p0 [hbm:s0], s1  }
0x4a: {  	s0 =	simm.s32 @!p0 $0x2  }
0x4b: {  	_ =	swait.ge @!p0 [sflag:s0], s1  }
0x4c: {  	s1 =	ssub.s32 @!p0 $0x0, s1;
	[sflag:s0] =	ssyncset.done @!p0 $0x0  }
0x4d: {  	[sflag:s0] =	ssyncadd.s32 @!p0 s1  }
0x4e: {  	[bflag:$0x3] =	sbarrier.arrive $0xFFFF  }
0x4f: {  	_ =	shalt  }

</sc_bundles>
